<compile_context>
chip_gen: v7x
topology: tpu7x:2x2x1
jax: 0.10.2.dev20260603
libtpu: 0.0.44.dev20260713+nightly
codegen_flags: <defaults>
</compile_context>

<pallas_src>
import functools

import jax
import jax.numpy as jnp
from jax import lax
from jax.experimental import pallas as pl
from jax.experimental.pallas import tpu as pltpu
from jax.experimental.pallas import tpu_sc as plsc

NC = 2
NS = 16
NW = NC * NS
CHUNK = 320


def _make_agg(n_nodes, n_chunks, width):
    rows_per_tile = ((n_nodes + NS) + NS * 8 - 1) // (NS * 8) * 8
    acc_rows = rows_per_tile * NS

    mesh = plsc.VectorSubcoreMesh(
        core_axis_name="c", subcore_axis_name="s", num_cores=NC,
        num_subcores=NS)

    @functools.partial(
        pl.kernel,
        out_type=jax.ShapeDtypeStruct((NC, acc_rows, 128), jnp.float32),
        mesh=mesh,
        scratch_types=[
            pltpu.VMEM((n_chunks, CHUNK), jnp.int32),
            pltpu.VMEM((n_chunks, CHUNK), jnp.int32),
            pltpu.VMEM((CHUNK, width), jnp.float32),
            pltpu.VMEM_SHARED((acc_rows, width), jnp.float32),
            pltpu.VMEM_SHARED((acc_rows, width), jnp.float32),
            pltpu.SemaphoreType.DMA,
        ],
        compiler_params=pltpu.CompilerParams(use_tc_tiling_on_sc=False),
    )
    def agg(src_hbm, dst_hbm, table_hbm, zeros_hbm, out_hbm,
            src_v, dst_v, rows_a, acc_sh, table_sh, sem):
        c = lax.axis_index("c")
        s = lax.axis_index("s")
        wid = c * NS + s

        z0 = s * rows_per_tile
        pltpu.sync_copy(zeros_hbm.at[pl.ds(z0, rows_per_tile)],
                        acc_sh.at[pl.ds(z0, rows_per_tile)])
        pltpu.sync_copy(table_hbm.at[pl.ds(z0, rows_per_tile)],
                        table_sh.at[pl.ds(z0, rows_per_tile)])
        pltpu.sync_copy(src_hbm.at[wid], src_v)
        pltpu.sync_copy(dst_hbm.at[wid], dst_v)
        plsc.subcore_barrier()

        def chunk_body(j, carry):
            pltpu.async_copy(table_sh.at[src_v.at[j]], rows_a, sem).wait()
            pltpu.sync_copy(rows_a, acc_sh.at[dst_v.at[j]], add=True)
            return carry

        lax.fori_loop(0, n_chunks, chunk_body, 0)
        plsc.subcore_barrier()

        pltpu.sync_copy(
            acc_sh.at[pl.ds(z0, rows_per_tile)],
            out_hbm.at[c, pl.ds(z0, rows_per_tile), pl.ds(0, width)])

    return agg


def _make_dense(n_nodes, d, p, q, block_rows):
    grid = (n_nodes // block_rows,)

    def body(u_ref, it_ref, ps_ref, wf_ref, bf_ref, wg_ref, bg_ref,
             wz_ref, bz_ref, wa_ref, ba_ref, out_ref):
        x = u_ref[...]
        dn = (((1,), (1,)), ((), ()))
        fu = jax.nn.softplus(
            lax.dot_general(x, wf_ref[...], dn,
                            preferred_element_type=jnp.float32) + bf_ref[...])
        gu = jax.nn.softplus(
            lax.dot_general(x, wg_ref[...], dn,
                            preferred_element_type=jnp.float32) + bg_ref[...])
        zu = jnp.tanh(
            lax.dot_general(x, wz_ref[...], dn,
                            preferred_element_type=jnp.float32) + bz_ref[...])
        ps = ps_ref[0] + ps_ref[1]
        nbr_sum = ps[:, :q]
        deg = ps[:, q:q + 1]
        nbr_mean = jnp.where(deg > 0, nbr_sum / jnp.maximum(deg, 1.0), 0.0)
        agi = jnp.concatenate([it_ref[...], nbr_mean], axis=1)
        ag = jnp.maximum(
            lax.dot_general(agi, wa_ref[...], dn,
                            preferred_element_type=jnp.float32) + ba_ref[...],
            0.0)
        du = -fu * x + gu * jnp.concatenate([zu, ag], axis=1)
        up = x[:, :p]
        dup = du[:, :p]
        s1 = jnp.sum(dup * up, axis=1, keepdims=True)
        s2 = jnp.sum(up * up, axis=1, keepdims=True)
        dup = dup - (s1 / s2) * up
        out_ref[...] = jnp.concatenate([dup, du[:, p:]], axis=1)

    return pl.pallas_call(
        body,
        grid=grid,
        in_specs=[
            pl.BlockSpec((block_rows, d), lambda i: (i, 0)),
            pl.BlockSpec((block_rows, q), lambda i: (i, 0)),
            pl.BlockSpec((NC, block_rows, 128), lambda i: (0, i, 0)),
            pl.BlockSpec((d, d), lambda i: (0, 0)),
            pl.BlockSpec((1, d), lambda i: (0, 0)),
            pl.BlockSpec((d, d), lambda i: (0, 0)),
            pl.BlockSpec((1, d), lambda i: (0, 0)),
            pl.BlockSpec((p, d), lambda i: (0, 0)),
            pl.BlockSpec((1, p), lambda i: (0, 0)),
            pl.BlockSpec((q, 2 * q), lambda i: (0, 0)),
            pl.BlockSpec((1, q), lambda i: (0, 0)),
        ],
        out_specs=pl.BlockSpec((block_rows, d), lambda i: (i, 0)),
        out_shape=jax.ShapeDtypeStruct((n_nodes, d), jnp.float32),
    )


def kernel(t, u, edge_index, intensity, WF, bF, WG, bG, WZ, bZ, WA, bA):
    n, d = u.shape
    q = intensity.shape[1]
    p = d - q
    e = edge_index.shape[1]
    w = q + 8

    src = edge_index[0].astype(jnp.int32)
    dst = edge_index[1].astype(jnp.int32)

    per_w = CHUNK * NW
    e_pad = (e + per_w - 1) // per_w * per_w
    n_chunks = e_pad // per_w
    src_p = jnp.concatenate(
        [src, jnp.zeros((e_pad - e,), jnp.int32)]).reshape(NW, n_chunks, CHUNK)
    dst_p = jnp.concatenate(
        [dst, jnp.full((e_pad - e,), n, jnp.int32)]).reshape(NW, n_chunks, CHUNK)

    acc_rows = ((n + NS) + NS * 8 - 1) // (NS * 8) * 8 * NS

    table = jnp.concatenate(
        [intensity, jnp.ones((n, 1), jnp.float32),
         jnp.zeros((n, w - q - 1), jnp.float32)], axis=1)
    table = jnp.concatenate(
        [table, jnp.zeros((acc_rows - n, w), jnp.float32)], axis=0)

    zeros = jnp.zeros((acc_rows, w), jnp.float32)

    agg = _make_agg(n, n_chunks, w)
    partials = agg(src_p, dst_p, table, zeros)

    block_rows = 2000
    dense = _make_dense(n, d, p, q, block_rows)
    return dense(u, intensity, partials, WF, bF.reshape(1, d), WG,
                 bG.reshape(1, d), WZ, bZ.reshape(1, p), WA,
                 bA.reshape(1, q))

# --- scband reference (transcript-rebuilt; emitter-appended) ---
"""Pipeline reference for scband-odefunc-83915071029947 (READ-ONLY COPY).

The authoritative reference and input builder live on the scoring server;
editing this copy changes nothing except your own understanding.
"""

import jax, jax.numpy as jnp
import numpy as np

P = 192
Q = 64
N = 10000
E = 160000
D = P + Q

def setup_inputs(seed: int = 0) -> dict:
    key = jax.random.key(seed)
    ks = jax.random.split(key, 12)
    t = 1
    u = jax.random.normal(ks[0], (N, D), dtype=jnp.float32)
    edge_index = jax.random.randint(ks[1], (2, E), 0, N, dtype=jnp.int64)
    intensity = jax.random.uniform(ks[2], (N, Q), dtype=jnp.float32)
    # learned params, init ~ normal(0, 0.1), bias 0 (matches torch init)
    WF = 0.1 * jax.random.normal(ks[3], (D, D), dtype=jnp.float32)
    bF = jnp.zeros((D,), dtype=jnp.float32)
    WG = 0.1 * jax.random.normal(ks[4], (D, D), dtype=jnp.float32)
    bG = jnp.zeros((D,), dtype=jnp.float32)
    WZ = 0.1 * jax.random.normal(ks[5], (P, D), dtype=jnp.float32)
    bZ = jnp.zeros((P,), dtype=jnp.float32)
    WA = 0.1 * jax.random.normal(ks[6], (Q, 2 * Q), dtype=jnp.float32)
    bA = jnp.zeros((Q,), dtype=jnp.float32)
    return {"t": t, "u": u, "edge_index": edge_index, "intensity": intensity,
            "WF": WF, "bF": bF, "WG": WG, "bG": bG, "WZ": WZ, "bZ": bZ,
            "WA": WA, "bA": bA}

def _softplus(x):
    return jax.nn.softplus(x)

def reference(t, u, edge_index, intensity, WF, bF, WG, bG, WZ, bZ, WA, bA):
    # output = TS.intensity(t): modeled as the precomputed per-node intensity matrix [N, Q]
    output = intensity
    src = edge_index[0]
    dst = edge_index[1]
    # mean over neighbors (zeros if no neighbors) -- vectorized aggregate_func
    nbr_sum = jax.ops.segment_sum(jnp.take(output, src, axis=0), dst, num_segments=N)
    deg = jax.ops.segment_sum(jnp.ones((E,), dtype=jnp.float32), dst, num_segments=N)
    nbr_mean = jnp.where(deg[:, None] > 0, nbr_sum / jnp.maximum(deg, 1.0)[:, None], 0.0)
    # A: ReLU(Linear(2q -> q)) applied to concat(own intensity, aggregated neighbor intensity)
    aggout = jax.nn.relu(jnp.concatenate([output, nbr_mean], axis=1) @ WA.T + bA)
    Fu = _softplus(u @ WF.T + bF)
    Gu = _softplus(u @ WG.T + bG)
    Zu = jnp.tanh(u @ WZ.T + bZ)
    du = -Fu * u + Gu * jnp.concatenate([Zu, aggout], axis=1)
    up = u[:, :P]
    dup = du[:, :P]
    duq = du[:, P:]
    dup = dup - jnp.sum(dup * up, axis=1, keepdims=True) / jnp.sum(up * up, axis=1, keepdims=True) * up
    return jnp.concatenate([dup, duq], axis=1)

if __name__ == "__main__":
    import jax
    _d = setup_inputs()
    print(jax.jit(kernel)(*tuple(_d.values())))

</pallas_src>

<mosaic_0001>
#map = affine_map<(d0, d1) -> (0, 0, 0)>
#map1 = affine_map<(d0, d1) -> (0, 0)>
module attributes {stable_mosaic.version = 14 : i64} {
  func.func @agg(%arg0: i32, %arg1: i32, %arg2: memref<32x16x320xi32, #tpu.memory_space<hbm>>, %arg3: memref<32x16x320xi32, #tpu.memory_space<hbm>>, %arg4: memref<10112x72xf32, #tpu.memory_space<hbm>>, %arg5: memref<10112x72xf32, #tpu.memory_space<hbm>>, %arg6: memref<2x10112x128xf32, #tpu.memory_space<hbm>>, %arg7: memref<16x320xi32, #tpu.memory_space<vmem>>, %arg8: memref<16x320xi32, #tpu.memory_space<vmem>>, %arg9: memref<320x72xf32, #tpu.memory_space<vmem>>, %arg10: memref<10112x72xf32, #tpu.memory_space<vmem_shared>>, %arg11: memref<10112x72xf32, #tpu.memory_space<vmem_shared>>, %arg12: memref<!tpu.dma_semaphore, #tpu.memory_space<semaphore_mem>>) attributes {dimension_semantics = [#tpu.dimension_semantics<core_parallel>, #tpu.dimension_semantics<subcore_parallel>], iteration_bounds = array<i64: 2, 16>, scalar_prefetch = 0 : i64, scratch_operands = 6 : i64, tpu.core_type = #tpu.core_type<sc_vector_subcore>, window_params = [{transform_indices = #map}, {transform_indices = #map}, {transform_indices = #map1}, {transform_indices = #map1}, {transform_indices = #map}]} {
    %mul3A = arith.constant 16 : i32
    %mul3A_0 = arith.muli %arg0, %mul3A : i32
    %add3A = arith.addi %mul3A_0, %arg1 : i32
    %mul3A_1 = arith.constant 632 : i32
    %mul3A_2 = arith.muli %arg1, %mul3A_1 : i32
    "tpu.region"() ({
      %run_scoped3A = tpu.sem_alloc : memref<!tpu.dma_semaphore, #tpu.memory_space<semaphore_mem>>
      %dma_start3A = arith.constant 0 : i32
      %dma_start3A_9 = tpu.memref_slice %arg10[%mul3A_2, %dma_start3A] : memref<10112x72xf32, #tpu.memory_space<vmem_shared>> -> memref<632x72xf32, #tpu.memory_space<vmem_shared>>
      %dma_start3A_10 = arith.constant 0 : i32
      %dma_start3A_11 = tpu.memref_slice %arg5[%mul3A_2, %dma_start3A_10] : memref<10112x72xf32, #tpu.memory_space<hbm>> -> memref<632x72xf32, #tpu.memory_space<hbm>>
      tpu.enqueue_dma source(%dma_start3A_11 : memref<632x72xf32, #tpu.memory_space<hbm>>) target(%dma_start3A_9 : memref<632x72xf32, #tpu.memory_space<vmem_shared>>) target_semaphore(%run_scoped3A : memref<!tpu.dma_semaphore, #tpu.memory_space<semaphore_mem>>)
      %dma_wait3A = arith.constant 0 : i32
      %dma_wait3A_12 = tpu.memref_slice %arg10[%mul3A_2, %dma_wait3A] : memref<10112x72xf32, #tpu.memory_space<vmem_shared>> -> memref<632x72xf32, #tpu.memory_space<vmem_shared>>
      %dma_wait3A_13 = arith.constant 0 : i32
      %dma_wait3A_14 = tpu.memref_slice %arg5[%mul3A_2, %dma_wait3A_13] : memref<10112x72xf32, #tpu.memory_space<hbm>> -> memref<632x72xf32, #tpu.memory_space<hbm>>
      tpu.wait_dma2 semaphore(%run_scoped3A : memref<!tpu.dma_semaphore, #tpu.memory_space<semaphore_mem>>) src(%dma_wait3A_14 : memref<632x72xf32, #tpu.memory_space<hbm>>) dst(%dma_wait3A_12 : memref<632x72xf32, #tpu.memory_space<vmem_shared>>)
      tpu.yield
    }) : () -> ()
    "tpu.region"() ({
      %run_scoped3A = tpu.sem_alloc : memref<!tpu.dma_semaphore, #tpu.memory_space<semaphore_mem>>
      %dma_start3A = arith.constant 0 : i32
      %dma_start3A_9 = tpu.memref_slice %arg11[%mul3A_2, %dma_start3A] : memref<10112x72xf32, #tpu.memory_space<vmem_shared>> -> memref<632x72xf32, #tpu.memory_space<vmem_shared>>
      %dma_start3A_10 = arith.constant 0 : i32
      %dma_start3A_11 = tpu.memref_slice %arg4[%mul3A_2, %dma_start3A_10] : memref<10112x72xf32, #tpu.memory_space<hbm>> -> memref<632x72xf32, #tpu.memory_space<hbm>>
      tpu.enqueue_dma source(%dma_start3A_11 : memref<632x72xf32, #tpu.memory_space<hbm>>) target(%dma_start3A_9 : memref<632x72xf32, #tpu.memory_space<vmem_shared>>) target_semaphore(%run_scoped3A : memref<!tpu.dma_semaphore, #tpu.memory_space<semaphore_mem>>)
      %dma_wait3A = arith.constant 0 : i32
      %dma_wait3A_12 = tpu.memref_slice %arg11[%mul3A_2, %dma_wait3A] : memref<10112x72xf32, #tpu.memory_space<vmem_shared>> -> memref<632x72xf32, #tpu.memory_space<vmem_shared>>
      %dma_wait3A_13 = arith.constant 0 : i32
      %dma_wait3A_14 = tpu.memref_slice %arg4[%mul3A_2, %dma_wait3A_13] : memref<10112x72xf32, #tpu.memory_space<hbm>> -> memref<632x72xf32, #tpu.memory_space<hbm>>
      tpu.wait_dma2 semaphore(%run_scoped3A : memref<!tpu.dma_semaphore, #tpu.memory_space<semaphore_mem>>) src(%dma_wait3A_14 : memref<632x72xf32, #tpu.memory_space<hbm>>) dst(%dma_wait3A_12 : memref<632x72xf32, #tpu.memory_space<vmem_shared>>)
      tpu.yield
    }) : () -> ()
    "tpu.region"() ({
      %run_scoped3A = tpu.sem_alloc : memref<!tpu.dma_semaphore, #tpu.memory_space<semaphore_mem>>
      %dma_start3A = arith.constant 0 : i32
      %dma_start3A_9 = arith.constant 0 : i32
      %dma_start3A_10 = tpu.memref_slice %arg2[%add3A, %dma_start3A, %dma_start3A_9] : memref<32x16x320xi32, #tpu.memory_space<hbm>> -> memref<1x16x320xi32, #tpu.memory_space<hbm>>
      %dma_start3A_11 = tpu.memref_squeeze %dma_start3A_10 : memref<1x16x320xi32, #tpu.memory_space<hbm>> -> memref<16x320xi32, #tpu.memory_space<hbm>>
      %dma_start3A_12 = arith.constant 0 : i32
      %dma_start3A_13 = arith.constant 0 : i32
      %dma_start3A_14 = tpu.memref_slice %arg2[%add3A, %dma_start3A_12, %dma_start3A_13] : memref<32x16x320xi32, #tpu.memory_space<hbm>> -> memref<1x16x320xi32, #tpu.memory_space<hbm>>
      %dma_start3A_15 = tpu.memref_squeeze %dma_start3A_14 : memref<1x16x320xi32, #tpu.memory_space<hbm>> -> memref<16x320xi32, #tpu.memory_space<hbm>>
      tpu.enqueue_dma source(%dma_start3A_15 : memref<16x320xi32, #tpu.memory_space<hbm>>) target(%arg7 : memref<16x320xi32, #tpu.memory_space<vmem>>) target_semaphore(%run_scoped3A : memref<!tpu.dma_semaphore, #tpu.memory_space<semaphore_mem>>)
      %dma_wait3A = arith.constant 0 : i32
      %dma_wait3A_16 = arith.constant 0 : i32
      %dma_wait3A_17 = tpu.memref_slice %arg2[%add3A, %dma_wait3A, %dma_wait3A_16] : memref<32x16x320xi32, #tpu.memory_space<hbm>> -> memref<1x16x320xi32, #tpu.memory_space<hbm>>
      %dma_wait3A_18 = tpu.memref_squeeze %dma_wait3A_17 : memref<1x16x320xi32, #tpu.memory_space<hbm>> -> memref<16x320xi32, #tpu.memory_space<hbm>>
      %dma_wait3A_19 = arith.constant 0 : i32
      %dma_wait3A_20 = arith.constant 0 : i32
      %dma_wait3A_21 = tpu.memref_slice %arg2[%add3A, %dma_wait3A_19, %dma_wait3A_20] : memref<32x16x320xi32, #tpu.memory_space<hbm>> -> memref<1x16x320xi32, #tpu.memory_space<hbm>>
      %dma_wait3A_22 = tpu.memref_squeeze %dma_wait3A_21 : memref<1x16x320xi32, #tpu.memory_space<hbm>> -> memref<16x320xi32, #tpu.memory_space<hbm>>
      tpu.wait_dma2 semaphore(%run_scoped3A : memref<!tpu.dma_semaphore, #tpu.memory_space<semaphore_mem>>) src(%dma_wait3A_22 : memref<16x320xi32, #tpu.memory_space<hbm>>) dst(%arg7 : memref<16x320xi32, #tpu.memory_space<vmem>>)
      tpu.yield
    }) : () -> ()
    "tpu.region"() ({
      %run_scoped3A = tpu.sem_alloc : memref<!tpu.dma_semaphore, #tpu.memory_space<semaphore_mem>>
      %dma_start3A = arith.constant 0 : i32
      %dma_start3A_9 = arith.constant 0 : i32
      %dma_start3A_10 = tpu.memref_slice %arg3[%add3A, %dma_start3A, %dma_start3A_9] : memref<32x16x320xi32, #tpu.memory_space<hbm>> -> memref<1x16x320xi32, #tpu.memory_space<hbm>>
      %dma_start3A_11 = tpu.memref_squeeze %dma_start3A_10 : memref<1x16x320xi32, #tpu.memory_space<hbm>> -> memref<16x320xi32, #tpu.memory_space<hbm>>
      %dma_start3A_12 = arith.constant 0 : i32
      %dma_start3A_13 = arith.constant 0 : i32
      %dma_start3A_14 = tpu.memref_slice %arg3[%add3A, %dma_start3A_12, %dma_start3A_13] : memref<32x16x320xi32, #tpu.memory_space<hbm>> -> memref<1x16x320xi32, #tpu.memory_space<hbm>>
      %dma_start3A_15 = tpu.memref_squeeze %dma_start3A_14 : memref<1x16x320xi32, #tpu.memory_space<hbm>> -> memref<16x320xi32, #tpu.memory_space<hbm>>
      tpu.enqueue_dma source(%dma_start3A_15 : memref<16x320xi32, #tpu.memory_space<hbm>>) target(%arg8 : memref<16x320xi32, #tpu.memory_space<vmem>>) target_semaphore(%run_scoped3A : memref<!tpu.dma_semaphore, #tpu.memory_space<semaphore_mem>>)
      %dma_wait3A = arith.constant 0 : i32
      %dma_wait3A_16 = arith.constant 0 : i32
      %dma_wait3A_17 = tpu.memref_slice %arg3[%add3A, %dma_wait3A, %dma_wait3A_16] : memref<32x16x320xi32, #tpu.memory_space<hbm>> -> memref<1x16x320xi32, #tpu.memory_space<hbm>>
      %dma_wait3A_18 = tpu.memref_squeeze %dma_wait3A_17 : memref<1x16x320xi32, #tpu.memory_space<hbm>> -> memref<16x320xi32, #tpu.memory_space<hbm>>
      %dma_wait3A_19 = arith.constant 0 : i32
      %dma_wait3A_20 = arith.constant 0 : i32
      %dma_wait3A_21 = tpu.memref_slice %arg3[%add3A, %dma_wait3A_19, %dma_wait3A_20] : memref<32x16x320xi32, #tpu.memory_space<hbm>> -> memref<1x16x320xi32, #tpu.memory_space<hbm>>
      %dma_wait3A_22 = tpu.memref_squeeze %dma_wait3A_21 : memref<1x16x320xi32, #tpu.memory_space<hbm>> -> memref<16x320xi32, #tpu.memory_space<hbm>>
      tpu.wait_dma2 semaphore(%run_scoped3A : memref<!tpu.dma_semaphore, #tpu.memory_space<semaphore_mem>>) src(%dma_wait3A_22 : memref<16x320xi32, #tpu.memory_space<hbm>>) dst(%arg8 : memref<16x320xi32, #tpu.memory_space<vmem>>)
      tpu.yield
    }) : () -> ()
    %barrier3A = arith.constant 0 : index
    tpu.barrier barrier_id(%barrier3A)
    %scan3A = arith.constant 0 : i32
    %scan3A_3 = arith.constant 0 : i32
    %scan3A_4 = arith.constant 16 : i32
    %scan3A_5 = arith.addi %scan3A_3, %scan3A_4 : i32
    %scan3A_6 = arith.constant 1 : i32
    scf.for %scan3A_9 = %scan3A_3 to %scan3A_5 step %scan3A_6  : i32 {
      %dma_start3A = arith.constant 0 : i32
      %dma_start3A_10 = tpu.memref_slice %arg7[%scan3A_9, %dma_start3A] : memref<16x320xi32, #tpu.memory_space<vmem>> -> memref<1x320xi32, #tpu.memory_space<vmem>>
      %dma_start3A_11 = tpu.memref_squeeze %dma_start3A_10 : memref<1x320xi32, #tpu.memory_space<vmem>> -> memref<320xi32, #tpu.memory_space<vmem>>
      %dma_start3A_12 = arith.constant 0 : i32
      %dma_start3A_13 = arith.constant 0 : i32
      %dma_start3A_14 = tpu.memref_slice %arg11[%dma_start3A_12, %dma_start3A_13] : memref<10112x72xf32, #tpu.memory_space<vmem_shared>> -> memref<10112x72xf32, #tpu.memory_space<vmem_shared>>
      tpu.enqueue_indirect_dma source(%dma_start3A_14 : memref<10112x72xf32, #tpu.memory_space<vmem_shared>>) target(%arg9 : memref<320x72xf32, #tpu.memory_space<vmem>>) offsets(%dma_start3A_11 : memref<320xi32, #tpu.memory_space<vmem>>) semaphore(%arg12 : memref<!tpu.dma_semaphore, #tpu.memory_space<semaphore_mem>>)
      %dma_wait3A = arith.constant 0 : i32
      %dma_wait3A_15 = tpu.memref_slice %arg7[%scan3A_9, %dma_wait3A] : memref<16x320xi32, #tpu.memory_space<vmem>> -> memref<1x320xi32, #tpu.memory_space<vmem>>
      %dma_wait3A_16 = tpu.memref_squeeze %dma_wait3A_15 : memref<1x320xi32, #tpu.memory_space<vmem>> -> memref<320xi32, #tpu.memory_space<vmem>>
      %dma_wait3A_17 = arith.constant 0 : i32
      %dma_wait3A_18 = arith.constant 0 : i32
      %dma_wait3A_19 = tpu.memref_slice %arg11[%dma_wait3A_17, %dma_wait3A_18] : memref<10112x72xf32, #tpu.memory_space<vmem_shared>> -> memref<10112x72xf32, #tpu.memory_space<vmem_shared>>
      tpu.wait_indirect_dma semaphore(%arg12 : memref<!tpu.dma_semaphore, #tpu.memory_space<semaphore_mem>>) src(%dma_wait3A_19 : memref<10112x72xf32, #tpu.memory_space<vmem_shared>>) dst(%arg9 : memref<320x72xf32, #tpu.memory_space<vmem>>)
      "tpu.region"() ({
        %run_scoped3A = tpu.sem_alloc : memref<!tpu.dma_semaphore, #tpu.memory_space<semaphore_mem>>
        %dma_start3A_20 = arith.constant 0 : i32
        %dma_start3A_21 = tpu.memref_slice %arg8[%scan3A_9, %dma_start3A_20] : memref<16x320xi32, #tpu.memory_space<vmem>> -> memref<1x320xi32, #tpu.memory_space<vmem>>
        %dma_start3A_22 = tpu.memref_squeeze %dma_start3A_21 : memref<1x320xi32, #tpu.memory_space<vmem>> -> memref<320xi32, #tpu.memory_space<vmem>>
        %dma_start3A_23 = arith.constant 0 : i32
        %dma_start3A_24 = arith.constant 0 : i32
        %dma_start3A_25 = tpu.memref_slice %arg10[%dma_start3A_23, %dma_start3A_24] : memref<10112x72xf32, #tpu.memory_space<vmem_shared>> -> memref<10112x72xf32, #tpu.memory_space<vmem_shared>>
        tpu.enqueue_indirect_dma source(%arg9 : memref<320x72xf32, #tpu.memory_space<vmem>>) target(%dma_start3A_25 : memref<10112x72xf32, #tpu.memory_space<vmem_shared>>) offsets(%dma_start3A_22 : memref<320xi32, #tpu.memory_space<vmem>>) semaphore(%run_scoped3A : memref<!tpu.dma_semaphore, #tpu.memory_space<semaphore_mem>>) {add = true}
        %dma_wait3A_26 = arith.constant 0 : i32
        %dma_wait3A_27 = tpu.memref_slice %arg8[%scan3A_9, %dma_wait3A_26] : memref<16x320xi32, #tpu.memory_space<vmem>> -> memref<1x320xi32, #tpu.memory_space<vmem>>
        %dma_wait3A_28 = tpu.memref_squeeze %dma_wait3A_27 : memref<1x320xi32, #tpu.memory_space<vmem>> -> memref<320xi32, #tpu.memory_space<vmem>>
        %dma_wait3A_29 = arith.constant 0 : i32
        %dma_wait3A_30 = arith.constant 0 : i32
        %dma_wait3A_31 = tpu.memref_slice %arg10[%dma_wait3A_29, %dma_wait3A_30] : memref<10112x72xf32, #tpu.memory_space<vmem_shared>> -> memref<10112x72xf32, #tpu.memory_space<vmem_shared>>
        tpu.wait_indirect_dma semaphore(%run_scoped3A : memref<!tpu.dma_semaphore, #tpu.memory_space<semaphore_mem>>) src(%arg9 : memref<320x72xf32, #tpu.memory_space<vmem>>) dst(%dma_wait3A_31 : memref<10112x72xf32, #tpu.memory_space<vmem_shared>>)
        tpu.yield
      }) : () -> ()
    }
    %scan3A_7 = arith.constant 16 : i32
    %barrier3A_8 = arith.constant 0 : index
    tpu.barrier barrier_id(%barrier3A_8)
    "tpu.region"() ({
      %run_scoped3A = tpu.sem_alloc : memref<!tpu.dma_semaphore, #tpu.memory_space<semaphore_mem>>
      %dma_start3A = arith.constant 0 : i32
      %dma_start3A_9 = tpu.memref_slice %arg6[%arg0, %mul3A_2, %dma_start3A] : memref<2x10112x128xf32, #tpu.memory_space<hbm>> -> memref<1x632x72xf32, #tpu.memory_space<hbm>>
      %dma_start3A_10 = tpu.memref_squeeze %dma_start3A_9 : memref<1x632x72xf32, #tpu.memory_space<hbm>> -> memref<632x72xf32, #tpu.memory_space<hbm>>
      %dma_start3A_11 = arith.constant 0 : i32
      %dma_start3A_12 = tpu.memref_slice %arg10[%mul3A_2, %dma_start3A_11] : memref<10112x72xf32, #tpu.memory_space<vmem_shared>> -> memref<632x72xf32, #tpu.memory_space<vmem_shared>>
      tpu.enqueue_dma source(%dma_start3A_12 : memref<632x72xf32, #tpu.memory_space<vmem_shared>>) target(%dma_start3A_10 : memref<632x72xf32, #tpu.memory_space<hbm>>) target_semaphore(%run_scoped3A : memref<!tpu.dma_semaphore, #tpu.memory_space<semaphore_mem>>)
      %dma_wait3A = arith.constant 0 : i32
      %dma_wait3A_13 = tpu.memref_slice %arg6[%arg0, %mul3A_2, %dma_wait3A] : memref<2x10112x128xf32, #tpu.memory_space<hbm>> -> memref<1x632x72xf32, #tpu.memory_space<hbm>>
      %dma_wait3A_14 = tpu.memref_squeeze %dma_wait3A_13 : memref<1x632x72xf32, #tpu.memory_space<hbm>> -> memref<632x72xf32, #tpu.memory_space<hbm>>
      %dma_wait3A_15 = arith.constant 0 : i32
      %dma_wait3A_16 = tpu.memref_slice %arg10[%mul3A_2, %dma_wait3A_15] : memref<10112x72xf32, #tpu.memory_space<vmem_shared>> -> memref<632x72xf32, #tpu.memory_space<vmem_shared>>
      tpu.wait_dma2 semaphore(%run_scoped3A : memref<!tpu.dma_semaphore, #tpu.memory_space<semaphore_mem>>) src(%dma_wait3A_16 : memref<632x72xf32, #tpu.memory_space<vmem_shared>>) dst(%dma_wait3A_14 : memref<632x72xf32, #tpu.memory_space<hbm>>)
      tpu.yield
    }) : () -> ()
    return
  }
}

module attributes {stable_mosaic.version = 14 : i64} {
  func.func @body(%arg0: i32, %arg1: memref<2000x256xf32, #tpu.memory_space<vmem>>, %arg2: memref<2000x64xf32, #tpu.memory_space<vmem>>, %arg3: memref<2x2000x128xf32, #tpu.memory_space<vmem>>, %arg4: memref<256x256xf32, #tpu.memory_space<vmem>>, %arg5: memref<1x256xf32, #tpu.memory_space<vmem>>, %arg6: memref<256x256xf32, #tpu.memory_space<vmem>>, %arg7: memref<1x256xf32, #tpu.memory_space<vmem>>, %arg8: memref<192x256xf32, #tpu.memory_space<vmem>>, %arg9: memref<1x192xf32, #tpu.memory_space<vmem>>, %arg10: memref<64x128xf32, #tpu.memory_space<vmem>>, %arg11: memref<1x64xf32, #tpu.memory_space<vmem>>, %arg12: memref<2000x256xf32, #tpu.memory_space<vmem>>) attributes {dimension_semantics = [#tpu.dimension_semantics<arbitrary>], iteration_bounds = array<i64: 5>, scalar_prefetch = 0 : i64, scratch_operands = 0 : i64, tpu.core_type = #tpu.core_type<tc>, window_params = [{transform_indices = @transform_0, window_bounds = array<i64: 2000, 256>}, {transform_indices = @transform_1, window_bounds = array<i64: 2000, 64>}, {transform_indices = @transform_2, window_bounds = array<i64: 2, 2000, 128>}, {pipeline_mode = #tpu.pipeline_mode<synchronous>, transform_indices = @transform_3, window_bounds = array<i64: 256, 256>}, {pipeline_mode = #tpu.pipeline_mode<synchronous>, transform_indices = @transform_4, window_bounds = array<i64: 1, 256>}, {pipeline_mode = #tpu.pipeline_mode<synchronous>, transform_indices = @transform_5, window_bounds = array<i64: 256, 256>}, {pipeline_mode = #tpu.pipeline_mode<synchronous>, transform_indices = @transform_6, window_bounds = array<i64: 1, 256>}, {pipeline_mode = #tpu.pipeline_mode<synchronous>, transform_indices = @transform_7, window_bounds = array<i64: 192, 256>}, {pipeline_mode = #tpu.pipeline_mode<synchronous>, transform_indices = @transform_8, window_bounds = array<i64: 1, 192>}, {pipeline_mode = #tpu.pipeline_mode<synchronous>, transform_indices = @transform_9, window_bounds = array<i64: 64, 128>}, {pipeline_mode = #tpu.pipeline_mode<synchronous>, transform_indices = @transform_10, window_bounds = array<i64: 1, 64>}, {transform_indices = @transform_11, window_bounds = array<i64: 2000, 256>}]} {
    %get3A = arith.constant 0 : index
    %get3A_0 = arith.constant 0 : index
    %get3A_1 = vector.load %arg1[%get3A, %get3A_0] : memref<2000x256xf32, #tpu.memory_space<vmem>>, vector<2000x256xf32>
    %get3A_2 = arith.constant 0 : index
    %get3A_3 = arith.constant 0 : index
    %get3A_4 = vector.load %arg4[%get3A_2, %get3A_3] : memref<256x256xf32, #tpu.memory_space<vmem>>, vector<256x256xf32>
    %dot_general3A = arith.constant dense<0.000000e+00> : vector<2000x256xf32>
    %dot_general3A_5 = tpu.matmul %get3A_1, %get3A_4, %dot_general3A {dimension_numbers = #tpu.dot_dimension_numbers<[1], [1], [0], [0], [0, 0, 1, 0], [], []>, transpose_lhs_hint = false} : vector<2000x256xf32>, vector<256x256xf32>, vector<2000x256xf32> -> vector<2000x256xf32>
    %get3A_6 = arith.constant 0 : index
    %get3A_7 = arith.constant 0 : index
    %get3A_8 = vector.load %arg5[%get3A_6, %get3A_7] : memref<1x256xf32, #tpu.memory_space<vmem>>, vector<1x256xf32>
    %add3A = vector.broadcast %get3A_8 : vector<1x256xf32> to vector<2000x256xf32>
    %add3A_9 = arith.addf %dot_general3A_5, %add3A : vector<2000x256xf32>
    %custom_jvp_call3A = arith.constant 0.000000e+00 : f32
    %max3A = vector.broadcast %custom_jvp_call3A : f32 to vector<2000x256xf32>
    %max3A_10 = arith.maximumf %add3A_9, %max3A : vector<2000x256xf32>
    %sub3A = vector.broadcast %custom_jvp_call3A : f32 to vector<2000x256xf32>
    %sub3A_11 = arith.subf %add3A_9, %sub3A : vector<2000x256xf32>
    %ne3A = arith.cmpf one, %sub3A_11, %sub3A_11 : vector<2000x256xf32>
    %add3A_12 = vector.broadcast %custom_jvp_call3A : f32 to vector<2000x256xf32>
    %add3A_13 = arith.addf %add3A_9, %add3A_12 : vector<2000x256xf32>
    %abs3A = math.absf %sub3A_11 : vector<2000x256xf32>
    %neg3A = arith.constant 0.000000e+00 : f32
    %neg3A_14 = vector.broadcast %neg3A : f32 to vector<2000x256xf32>
    %neg3A_15 = arith.subf %neg3A_14, %abs3A : vector<2000x256xf32>
    %exp3A = math.exp %neg3A_15 : vector<2000x256xf32>
    %log1p3A = math.log1p %exp3A : vector<2000x256xf32>
    %add3A_16 = arith.addf %max3A_10, %log1p3A : vector<2000x256xf32>
    %select_n3A = arith.select %ne3A, %add3A_13, %add3A_16 : vector<2000x256xi1>, vector<2000x256xf32>
    %get3A_17 = arith.constant 0 : index
    %get3A_18 = arith.constant 0 : index
    %get3A_19 = vector.load %arg6[%get3A_17, %get3A_18] : memref<256x256xf32, #tpu.memory_space<vmem>>, vector<256x256xf32>
    %dot_general3A_20 = arith.constant dense<0.000000e+00> : vector<2000x256xf32>
    %dot_general3A_21 = tpu.matmul %get3A_1, %get3A_19, %dot_general3A_20 {dimension_numbers = #tpu.dot_dimension_numbers<[1], [1], [0], [0], [0, 0, 1, 0], [], []>, transpose_lhs_hint = false} : vector<2000x256xf32>, vector<256x256xf32>, vector<2000x256xf32> -> vector<2000x256xf32>
    %get3A_22 = arith.constant 0 : index
    %get3A_23 = arith.constant 0 : index
    %get3A_24 = vector.load %arg7[%get3A_22, %get3A_23] : memref<1x256xf32, #tpu.memory_space<vmem>>, vector<1x256xf32>
    %add3A_25 = vector.broadcast %get3A_24 : vector<1x256xf32> to vector<2000x256xf32>
    %add3A_26 = arith.addf %dot_general3A_21, %add3A_25 : vector<2000x256xf32>
    %custom_jvp_call3A_27 = arith.constant 0.000000e+00 : f32
    %max3A_28 = vector.broadcast %custom_jvp_call3A_27 : f32 to vector<2000x256xf32>
    %max3A_29 = arith.maximumf %add3A_26, %max3A_28 : vector<2000x256xf32>
    %sub3A_30 = vector.broadcast %custom_jvp_call3A_27 : f32 to vector<2000x256xf32>
    %sub3A_31 = arith.subf %add3A_26, %sub3A_30 : vector<2000x256xf32>
    %ne3A_32 = arith.cmpf one, %sub3A_31, %sub3A_31 : vector<2000x256xf32>
    %add3A_33 = vector.broadcast %custom_jvp_call3A_27 : f32 to vector<2000x256xf32>
    %add3A_34 = arith.addf %add3A_26, %add3A_33 : vector<2000x256xf32>
    %abs3A_35 = math.absf %sub3A_31 : vector<2000x256xf32>
    %neg3A_36 = arith.constant 0.000000e+00 : f32
    %neg3A_37 = vector.broadcast %neg3A_36 : f32 to vector<2000x256xf32>
    %neg3A_38 = arith.subf %neg3A_37, %abs3A_35 : vector<2000x256xf32>
    %exp3A_39 = math.exp %neg3A_38 : vector<2000x256xf32>
    %log1p3A_40 = math.log1p %exp3A_39 : vector<2000x256xf32>
    %add3A_41 = arith.addf %max3A_29, %log1p3A_40 : vector<2000x256xf32>
    %select_n3A_42 = arith.select %ne3A_32, %add3A_34, %add3A_41 : vector<2000x256xi1>, vector<2000x256xf32>
    %get3A_43 = arith.constant 0 : index
    %get3A_44 = arith.constant 0 : index
    %get3A_45 = vector.load %arg8[%get3A_43, %get3A_44] : memref<192x256xf32, #tpu.memory_space<vmem>>, vector<192x256xf32>
    %dot_general3A_46 = arith.constant dense<0.000000e+00> : vector<2000x192xf32>
    %dot_general3A_47 = tpu.matmul %get3A_1, %get3A_45, %dot_general3A_46 {dimension_numbers = #tpu.dot_dimension_numbers<[1], [1], [0], [0], [0, 0, 1, 0], [], []>, transpose_lhs_hint = false} : vector<2000x256xf32>, vector<192x256xf32>, vector<2000x192xf32> -> vector<2000x192xf32>
    %get3A_48 = arith.constant 0 : index
    %get3A_49 = arith.constant 0 : index
    %get3A_50 = vector.load %arg9[%get3A_48, %get3A_49] : memref<1x192xf32, #tpu.memory_space<vmem>>, vector<1x192xf32>
    %add3A_51 = vector.broadcast %get3A_50 : vector<1x192xf32> to vector<2000x192xf32>
    %add3A_52 = arith.addf %dot_general3A_47, %add3A_51 : vector<2000x192xf32>
    %tanh3A = math.tanh %add3A_52 : vector<2000x192xf32>
    %get3A_53 = arith.constant 0 : index
    %get3A_54 = arith.constant 0 : index
    %get3A_55 = arith.constant 0 : index
    %get3A_56 = vector.load %arg3[%get3A_53, %get3A_54, %get3A_55] : memref<2x2000x128xf32, #tpu.memory_space<vmem>>, vector<1x2000x128xf32>
    %get3A_57 = vector.shape_cast %get3A_56 : vector<1x2000x128xf32> to vector<2000x128xf32>
    %get3A_58 = arith.constant 1 : index
    %get3A_59 = arith.constant 0 : index
    %get3A_60 = arith.constant 0 : index
    %get3A_61 = vector.load %arg3[%get3A_58, %get3A_59, %get3A_60] : memref<2x2000x128xf32, #tpu.memory_space<vmem>>, vector<1x2000x128xf32>
    %get3A_62 = vector.shape_cast %get3A_61 : vector<1x2000x128xf32> to vector<2000x128xf32>
    %add3A_63 = arith.addf %get3A_57, %get3A_62 : vector<2000x128xf32>
    %slice3A = vector.extract_strided_slice %add3A_63 {offsets = [0, 0], sizes = [2000, 64], strides = [1, 1]} : vector<2000x128xf32> to vector<2000x64xf32>
    %slice3A_64 = vector.extract_strided_slice %add3A_63 {offsets = [0, 64], sizes = [2000, 1], strides = [1, 1]} : vector<2000x128xf32> to vector<2000x1xf32>
    %gt3A = arith.constant 0.000000e+00 : f32
    %gt3A_65 = vector.broadcast %gt3A : f32 to vector<2000x1xf32>
    %gt3A_66 = arith.cmpf ogt, %slice3A_64, %gt3A_65 : vector<2000x1xf32>
    %max3A_67 = arith.constant 1.000000e+00 : f32
    %max3A_68 = vector.broadcast %max3A_67 : f32 to vector<2000x1xf32>
    %max3A_69 = arith.maximumf %slice3A_64, %max3A_68 : vector<2000x1xf32>
    %div3A = vector.broadcast %max3A_69 : vector<2000x1xf32> to vector<2000x64xf32>
    %div3A_70 = arith.divf %slice3A, %div3A : vector<2000x64xf32>
    %jit3A = arith.constant 0.000000e+00 : f32
    %broadcast_in_dim3A = vector.shape_cast %gt3A_66 : vector<2000x1xi1> to vector<2000x1xi1>
    %broadcast_in_dim3A_71 = vector.broadcast %broadcast_in_dim3A : vector<2000x1xi1> to vector<2000x64xi1>
    %broadcast_in_dim3A_72 = vector.broadcast %jit3A : f32 to vector<2000x64xf32>
    %select_n3A_73 = arith.select %broadcast_in_dim3A_71, %div3A_70, %broadcast_in_dim3A_72 : vector<2000x64xi1>, vector<2000x64xf32>
    %get3A_74 = arith.constant 0 : index
    %get3A_75 = arith.constant 0 : index
    %get3A_76 = vector.load %arg2[%get3A_74, %get3A_75] : memref<2000x64xf32, #tpu.memory_space<vmem>>, vector<2000x64xf32>
    %concatenate3A = tpu.concatenate %get3A_76, %select_n3A_73 in 1 : vector<2000x64xf32>, vector<2000x64xf32> -> vector<2000x128xf32>
    %get3A_77 = arith.constant 0 : index
    %get3A_78 = arith.constant 0 : index
    %get3A_79 = vector.load %arg10[%get3A_77, %get3A_78] : memref<64x128xf32, #tpu.memory_space<vmem>>, vector<64x128xf32>
    %dot_general3A_80 = arith.constant dense<0.000000e+00> : vector<2000x64xf32>
    %dot_general3A_81 = tpu.matmul %concatenate3A, %get3A_79, %dot_general3A_80 {dimension_numbers = #tpu.dot_dimension_numbers<[1], [1], [0], [0], [0, 0, 1, 0], [], []>, transpose_lhs_hint = false} : vector<2000x128xf32>, vector<64x128xf32>, vector<2000x64xf32> -> vector<2000x64xf32>
    %get3A_82 = arith.constant 0 : index
    %get3A_83 = arith.constant 0 : index
    %get3A_84 = vector.load %arg11[%get3A_82, %get3A_83] : memref<1x64xf32, #tpu.memory_space<vmem>>, vector<1x64xf32>
    %add3A_85 = vector.broadcast %get3A_84 : vector<1x64xf32> to vector<2000x64xf32>
    %add3A_86 = arith.addf %dot_general3A_81, %add3A_85 : vector<2000x64xf32>
    %max3A_87 = arith.constant 0.000000e+00 : f32
    %max3A_88 = vector.broadcast %max3A_87 : f32 to vector<2000x64xf32>
    %max3A_89 = arith.maximumf %add3A_86, %max3A_88 : vector<2000x64xf32>
    %neg3A_90 = arith.constant 0.000000e+00 : f32
    %neg3A_91 = vector.broadcast %neg3A_90 : f32 to vector<2000x256xf32>
    %neg3A_92 = arith.subf %neg3A_91, %select_n3A : vector<2000x256xf32>
    %mul3A = arith.mulf %neg3A_92, %get3A_1 : vector<2000x256xf32>
    %concatenate3A_93 = tpu.concatenate %tanh3A, %max3A_89 in 1 : vector<2000x192xf32>, vector<2000x64xf32> -> vector<2000x256xf32>
    %mul3A_94 = arith.mulf %select_n3A_42, %concatenate3A_93 : vector<2000x256xf32>
    %add3A_95 = arith.addf %mul3A, %mul3A_94 : vector<2000x256xf32>
    %slice3A_96 = vector.extract_strided_slice %get3A_1 {offsets = [0, 0], sizes = [2000, 192], strides = [1, 1]} : vector<2000x256xf32> to vector<2000x192xf32>
    %slice3A_97 = vector.extract_strided_slice %add3A_95 {offsets = [0, 0], sizes = [2000, 192], strides = [1, 1]} : vector<2000x256xf32> to vector<2000x192xf32>
    %mul3A_98 = arith.mulf %slice3A_97, %slice3A_96 : vector<2000x192xf32>
    %reduce_sum3A = arith.constant dense<0.000000e+00> : vector<2000xf32>
    %reduce_sum3A_99 = vector.multi_reduction <add>, %mul3A_98, %reduce_sum3A [1] : vector<2000x192xf32> to vector<2000xf32>
    %broadcast_in_dim3A_100 = vector.shape_cast %reduce_sum3A_99 : vector<2000xf32> to vector<2000x1xf32>
    %mul3A_101 = arith.mulf %slice3A_96, %slice3A_96 : vector<2000x192xf32>
    %reduce_sum3A_102 = arith.constant dense<0.000000e+00> : vector<2000xf32>
    %reduce_sum3A_103 = vector.multi_reduction <add>, %mul3A_101, %reduce_sum3A_102 [1] : vector<2000x192xf32> to vector<2000xf32>
    %broadcast_in_dim3A_104 = vector.shape_cast %reduce_sum3A_103 : vector<2000xf32> to vector<2000x1xf32>
    %div3A_105 = arith.divf %broadcast_in_dim3A_100, %broadcast_in_dim3A_104 : vector<2000x1xf32>
    %mul3A_106 = vector.broadcast %div3A_105 : vector<2000x1xf32> to vector<2000x192xf32>
    %mul3A_107 = arith.mulf %mul3A_106, %slice3A_96 : vector<2000x192xf32>
    %sub3A_108 = arith.subf %slice3A_97, %mul3A_107 : vector<2000x192xf32>
    %slice3A_109 = vector.extract_strided_slice %add3A_95 {offsets = [0, 192], sizes = [2000, 64], strides = [1, 1]} : vector<2000x256xf32> to vector<2000x64xf32>
    %concatenate3A_110 = tpu.concatenate %sub3A_108, %slice3A_109 in 1 : vector<2000x192xf32>, vector<2000x64xf32> -> vector<2000x256xf32>
    %swap3A = arith.constant 0 : index
    %swap3A_111 = arith.constant 0 : index
    %swap3A_112 = vector.load %arg12[%swap3A, %swap3A_111] : memref<2000x256xf32, #tpu.memory_space<vmem>>, vector<2000x256xf32>
    tpu.vector_store %arg12[%swap3A, %swap3A_111], %concatenate3A_110 {strides = array<i32>} : memref<2000x256xf32, #tpu.memory_space<vmem>>, vector<2000x256xf32>,
    return
  }
  func.func @transform_0(%arg0: i32) -> (i32, i32) {
    %c0_i32 = arith.constant 0 : i32
    %c0_i32_0 = arith.constant 0 : i32
    return %arg0, %c0_i32 : i32, i32
  }
  func.func @transform_1(%arg0: i32) -> (i32, i32) {
    %c0_i32 = arith.constant 0 : i32
    %c0_i32_0 = arith.constant 0 : i32
    return %arg0, %c0_i32 : i32, i32
  }
  func.func @transform_2(%arg0: i32) -> (i32, i32, i32) {
    %c0_i32 = arith.constant 0 : i32
    %c0_i32_0 = arith.constant 0 : i32
    %c0_i32_1 = arith.constant 0 : i32
    return %c0_i32, %arg0, %c0_i32_0 : i32, i32, i32
  }
  func.func @transform_3(%arg0: i32) -> (i32, i32) {
    %c0_i32 = arith.constant 0 : i32
    %c0_i32_0 = arith.constant 0 : i32
    %c0_i32_1 = arith.constant 0 : i32
    return %c0_i32, %c0_i32_0 : i32, i32
  }
  func.func @transform_4(%arg0: i32) -> (i32, i32) {
    %c0_i32 = arith.constant 0 : i32
    %c0_i32_0 = arith.constant 0 : i32
    %c0_i32_1 = arith.constant 0 : i32
    return %c0_i32, %c0_i32_0 : i32, i32
  }
  func.func @transform_5(%arg0: i32) -> (i32, i32) {
    %c0_i32 = arith.constant 0 : i32
    %c0_i32_0 = arith.constant 0 : i32
    %c0_i32_1 = arith.constant 0 : i32
    return %c0_i32, %c0_i32_0 : i32, i32
  }
  func.func @transform_6(%arg0: i32) -> (i32, i32) {
    %c0_i32 = arith.constant 0 : i32
    %c0_i32_0 = arith.constant 0 : i32
    %c0_i32_1 = arith.constant 0 : i32
    return %c0_i32, %c0_i32_0 : i32, i32
  }
  func.func @transform_7(%arg0: i32) -> (i32, i32) {
    %c0_i32 = arith.constant 0 : i32
    %c0_i32_0 = arith.constant 0 : i32
    %c0_i32_1 = arith.constant 0 : i32
    return %c0_i32, %c0_i32_0 : i32, i32
  }
  func.func @transform_8(%arg0: i32) -> (i32, i32) {
    %c0_i32 = arith.constant 0 : i32
    %c0_i32_0 = arith.constant 0 : i32
    %c0_i32_1 = arith.constant 0 : i32
    return %c0_i32, %c0_i32_0 : i32, i32
  }
  func.func @transform_9(%arg0: i32) -> (i32, i32) {
    %c0_i32 = arith.constant 0 : i32
    %c0_i32_0 = arith.constant 0 : i32
    %c0_i32_1 = arith.constant 0 : i32
    return %c0_i32, %c0_i32_0 : i32, i32
  }
  func.func @transform_10(%arg0: i32) -> (i32, i32) {
    %c0_i32 = arith.constant 0 : i32
    %c0_i32_0 = arith.constant 0 : i32
    %c0_i32_1 = arith.constant 0 : i32
    return %c0_i32, %c0_i32_0 : i32, i32
  }
  func.func @transform_11(%arg0: i32) -> (i32, i32) {
    %c0_i32 = arith.constant 0 : i32
    %c0_i32_0 = arith.constant 0 : i32
    return %arg0, %c0_i32 : i32, i32
  }
}

</mosaic_0001>

<sc_bundles>
// kernel: kernel.4.cloned.1.call-start
scs
__scs_entry_jumppad:
0x0: {  	(pc) =	sbr.rel $0x88, $3  }
0x1: {  	(tag) =	ssettag $0x0;
	lr =	simm.s32 $0x1  }
0x2: {  	[smem:$0x3F96] =	sst lr;
	_ =	strace $0xD0000000  }
0x3: {  	_ = 	snop  }
0x4: {  	_ = 	snop  }
0x5: {  	_ = 	snop  }
0x6: {  	_ = 	snop  }
0x7: {  	_ = 	snop  }
__scs_overlays_trampoline_lowered:
0x8: {  	[smem:$0x3FA5] =	sst s0  }
0x9: {  	[smem:$0x3FA6] =	sst s1  }
0xa: {  	[smem:$0x3FA7] =	sst s2  }
0xb: {  	[smem:$0x3FA8] =	sst s3  }
0xc: {  	[smem:$0x3FA9] =	sst s4  }
0xd: {  	[smem:$0x3FAA] =	sst s5  }
0xe: {  	[smem:$0x3FAB] =	sst s6  }
0xf: {  	[smem:$0x3FAC] =	sst s7  }
0x10: {  	[smem:$0x3FAD] =	sst s8  }
0x11: {  	[smem:$0x3FAE] =	sst s9;
	s0 =	simm.s32 @!p0 $0x0  }
0x12: {  	s1 =	sld [smem:$0x3F94];
	s0 =	simm.s32 @p0 $0x1  }
0x13: {  	[smem:$0x3FAF] =	sst s0;
	s0 =	simm.s32 @!p1 $0x0  }
0x14: {  	s2 =	sld [smem:$0x3F93];
	s0 =	simm.s32 @p1 $0x1  }
0x15: {  	[smem:$0x3FB0] =	sst s0;
	s0 =	simm.s32 @!p2 $0x0  }
0x16: {  	s3 =	sld [smem:$0x3FDB];
	s0 =	simm.s32 @p2 $0x1  }
0x17: {  	s4 =	simm.s32 $0x1BF5;
	[smem:$0x3FB2] =	sst s0  }
0x18: {  	s0 =	sld [smem:$0x3F95];
	_ =	swait.ge [sflag:s4], $0x0  }
0x19: {  	s7 =	sld [smem:$0x3F96]  }
0x1a: {  	s8 =	sadd.s32 $0xFFFFE003, lr  }
0x1b: {  	s9 =	sadd.s32 $0xFFFFFEF7, lr;
	s5 =	simm.s32 $0xFFFFFFFF;
	p2 =	slt.u32 s8, $0xFFFFF086  }
0x1c: {  	p1 =	slt.u32 s9, $0xF7A;
	s5 =	simm.s32 @!p2 $0x0  }
0x1d: {  	s5 =	simm.s32 @p1 $0x1;
	p0 =	seq.s32 s7, s2  }
0x1e: {  	s7 =	smul.u32 @!p0 $0xF7A, s2;
	p2 =	seq.s32 @!p0 s5, $0x0  }
0x1f: {  	s9 =	smul.u32 $0xF7A, s1;
	s8 =	simm.s32 @!p0 $0x1BF5;
	p2 =	por !p2, p0  }
0x20: {  	[sflag:s8] =	ssyncset.s32 @!p0 $0xFFFFF086;
	s6 =	sadd.s32 @!p0 s3, s7;
	s7 =	simm.s32 @!p0 $0x108  }
0x21: {  	s3 =	sadd.s32 s3, s9;
	s6 =	sadd.s32 @!p0 $0x88, s6;
	s7 =	simm.s32 @p2 $0x1082  }
0x22: {  	[simem:s7], [sflag:s8] =	dma.local @!p0 [hbm:s6], $0xF7A  }
0x23: {  	s9 =	sor.u32 $0xD0000000, s2;
	s6 =	simm.s32 $0x108;
	_ =	swait.ge @!p0 [sflag:s8], $0x0  }
0x24: {  	s3 =	sadd.s32 $0x88, s3;
	s6 =	simm.s32 @!p1 $0x1082;
	[sflag:s4] =	ssyncset.s32 $0xFFFFF086  }
0x25: {  	[simem:s6], [sflag:s4] =	dma.local [hbm:s3], $0xF7A  }
0x26: {  	[smem:$0x3F96] =	sst s1;
	(tag) =	ssettag s2;
	_ =	strace s9  }
0x27: {  	s1 =	sld [smem:$0x3FA6]  }
0x28: {  	s2 =	sld [smem:$0x3FA7]  }
0x29: {  	s4 =	sld [smem:$0x3FA9]  }
0x2a: {  	p0 =	seq.s32 s5, $0x0;
	s5 =	sld [smem:$0x3FAA]  }
0x2b: {  	s6 =	sld [smem:$0x3FAB]  }
0x2c: {  	s7 =	sld [smem:$0x3FAC]  }
0x2d: {  	s3 =	simm.s32 $0x108;
	s8 =	sld [smem:$0x3FAD]  }
0x2e: {  	s3 =	simm.s32 @!p0 $0x1082;
	s9 =	sld [smem:$0x3FAE]  }
0x2f: {  	lr =	sadd.s32 s0, s3;
	s0 =	sld [smem:$0x3FA5]  }
0x30: {  	s3 =	sld [smem:$0x3FA8]  }
0x31: {  	[smem:$0x3FB1] =	sst s10  }
0x32: {  	s10 =	sld [smem:$0x3FAF];
	_ =	sdelay $0x3  }
0x33: {  	p0 =	seq.s32 s10, $0x1;
	s10 =	sld [smem:$0x3FB1];
	_ =	sdelay $0x3  }
0x34: {  	[smem:$0x3FB1] =	sst s10  }
0x35: {  	s10 =	sld [smem:$0x3FB0];
	_ =	sdelay $0x3  }
0x36: {  	p1 =	seq.s32 s10, $0x1;
	s10 =	sld [smem:$0x3FB1];
	_ =	sdelay $0x3  }
0x37: {  	[smem:$0x3FB1] =	sst s10  }
0x38: {  	s10 =	sld [smem:$0x3FB2]  }
0x39: {  	_ = 	snop;
	(pc) =	sbr.ind lr, $3  }
0x3a: {  	_ = 	snop  }
0x3b: {  	_ = 	snop  }
0x3c: {  	p2 =	seq.s32 s10, $0x1;
	s10 =	sld [smem:$0x3FB1]  }
0x3d: {  	_ =	shalt  }
0x3e: {  	_ =	shalt  }
0x3f: {  	_ =	shalt  }
0x40: {  	_ =	shalt  }
0x41: {  	_ =	shalt  }
0x42: {  	_ =	shalt  }
0x43: {  	_ =	shalt  }
0x44: {  	_ =	shalt  }
0x45: {  	_ =	shalt  }
0x46: {  	_ =	shalt  }
0x47: {  	_ =	shalt  }
0x48: {  	_ =	shalt  }
0x49: {  	_ =	shalt  }
0x4a: {  	_ =	shalt  }
0x4b: {  	_ =	shalt  }
0x4c: {  	_ =	shalt  }
0x4d: {  	_ =	shalt  }
0x4e: {  	_ =	shalt  }
0x4f: {  	_ =	shalt  }
0x50: {  	_ =	shalt  }
0x51: {  	_ =	shalt  }
0x52: {  	_ =	shalt  }
0x53: {  	_ =	shalt  }
0x54: {  	_ =	shalt  }
0x55: {  	_ =	shalt  }
0x56: {  	_ =	shalt  }
0x57: {  	_ =	shalt  }
0x58: {  	_ =	shalt  }
0x59: {  	_ =	shalt  }
0x5a: {  	_ =	shalt  }
0x5b: {  	_ =	shalt  }
0x5c: {  	_ =	shalt  }
0x5d: {  	_ =	shalt  }
0x5e: {  	_ =	shalt  }
0x5f: {  	_ =	shalt  }
0x60: {  	_ =	shalt  }
0x61: {  	_ =	shalt  }
0x62: {  	_ =	shalt  }
0x63: {  	_ =	shalt  }
0x64: {  	_ =	shalt  }
0x65: {  	_ =	shalt  }
0x66: {  	_ =	shalt  }
0x67: {  	_ =	shalt  }
0x68: {  	_ =	shalt  }
0x69: {  	_ =	shalt  }
0x6a: {  	_ =	shalt  }
0x6b: {  	_ =	shalt  }
0x6c: {  	_ =	shalt  }
0x6d: {  	_ =	shalt  }
0x6e: {  	_ =	shalt  }
0x6f: {  	_ =	shalt  }
0x70: {  	_ =	shalt  }
0x71: {  	_ =	shalt  }
0x72: {  	_ =	shalt  }
0x73: {  	_ =	shalt  }
0x74: {  	_ =	shalt  }
0x75: {  	_ =	shalt  }
0x76: {  	_ =	shalt  }
0x77: {  	_ =	shalt  }
0x78: {  	_ =	shalt  }
0x79: {  	_ =	shalt  }
0x7a: {  	_ =	shalt  }
0x7b: {  	_ =	shalt  }
0x7c: {  	_ =	shalt  }
0x7d: {  	_ =	shalt  }
0x7e: {  	_ =	shalt  }
0x7f: {  	_ =	shalt  }
0x80: {  	_ =	shalt  }
0x81: {  	_ =	shalt  }
0x82: {  	_ =	shalt  }
0x83: {  	_ =	shalt  }
0x84: {  	_ =	shalt  }
0x85: {  	_ =	shalt  }
0x86: {  	_ =	shalt  }
0x87: {  	_ =	shalt  }
.Lfunc_end0:
.L_simem_size_0:
called_computation_lowered:
.L_overlay_start_0:
0x88: {  	s2 =	sld [smem:$0x3FD9]  }
0x89: {  	s3 =	sld [smem:$0x3FFE];
	_ =	sdelay $0x1  }
0x8a: {  	s1 =	srdreg.scid  }
0x8b: {  	s0 =	sand.u32 $0x1, s1  }
0x8c: {  	s17 =	sshll.u32 s0, $0xA;
	s2 =	sadd.s32 s3, s2  }
0x8d: {  	s2 =	sadd.s32 s2, s17  }
0x8e: {  	[smem:$0x3FBD] =	sst s2  }
0x8f: {  	_ = 	snop  }
0x90: {  	s2 =	sld [smem:$0x3FD0];
	(tm) =	ssettm $0x1  }
0x91: {  	s18 =	sld [smem:$0x3FFB];
	_ =	sdelay $0x3  }
0x92: {  	_ =	strace s18  }
0x93: {  	s3 =	sld [smem:$0x3FFC];
	_ =	sdelay $0x3  }
0x94: {  	_ =	strace s3  }
0x95: {  	s3 =	sld [smem:$0x3FFD];
	_ =	sdelay $0x3  }
0x96: {  	_ =	strace s3  }
0x97: {  	_ =	strace $0x8FFFFFFF  }
0x98: {  	s19 =	sld [smem:$0x3FDB];
	_ =	sdelay $0x1  }
0x99: {  	s4 =	simm.s32 $_scs_section_size  }
0x9a: {  	s5 =	simm.s32 $_size__tile_overlayer_lowered;
	s6 =	simm.s32 $_tile_overlayer_lowered  }
0x9b: {  	s22 =	simm.s32 $0x1BFF;
	s21 =	sshll.u32 s6, $0x1;
	s3 =	sadd.s32 s4, s19  }
0x9c: {  	s7 =	simm.s32 $0x0;
	s20 =	sshll.u32 s5, $0x1;
	s5 =	sadd.s32 s21, s3  }
0x9d: {  	[timem:s7], [sflag:s22] =	dma.local [hbm:s5], s20  }
0x9e: {  	_ =	swait.ge [sflag:s22], s20  }
0x9f: {  	s4 =	ssub.s32 $0x0, s20;
	[sflag:s22] =	ssyncset.done $0x0  }
0xa0: {  	[sflag:s22] =	ssyncadd.s32 s4;
	_ =	sdelay $0x1  }
0xa1: {  	s23 =	simm.s32 $0x1B8B  }
0xa2: {  	_ =	swait.ge [sflag:s23], $0x1  }
0xa3: {  	[sflag:s23] =	ssyncset.done $0x0  }
0xa4: {  	s25 =	simm.s32 $0x1B8E;
	s24 =	sld [smem:$0x3FFE];
	[sflag:s23] =	ssyncadd.s32 $0xFFFFFFFF  }
0xa5: {  	s26 =	simm.s32 $execute0_lowered;
	[smem:$0x3FD2] =	sst s25  }
0xa6: {  	s5 =	sshll.u32 s26, $0x1;
	_ =	strace $0x80000046;
	[dreg:$0x1] =	wrdreg $0xFFFFFFFF  }
0xa7: {  	s28 =	simm.s32 $_size_execute0_lowered;
	s3 =	sadd.s32 s3, s5;
	[dreg:$0x0] =	wrdreg $0x0  }
0xa8: {  	s5 =	sshll.u32 s28, $0x1;
	[dreg:$0x2] =	wrdreg s3  }
0xa9: {  	[dreg:$0x3] =	wrdreg s5  }
0xaa: {  	[dreg:$0x4] =	wrdreg $0xC0  }
0xab: {  	_ =	task [dreg:s7], $0x5FFFF  }
0xac: {  	[dreg:$0x1] =	wrdreg $0xFFFFFFFF  }
0xad: {  	[dreg:$0x0] =	wrdreg $0x60  }
0xae: {  	[dreg:$0x2] =	wrdreg s24  }
0xaf: {  	[dreg:$0x3] =	wrdreg s2  }
0xb0: {  	[dreg:$0x4] =	wrdreg $0x82000  }
0xb1: {  	[dreg:$0x5] =	wrdreg $0x133C00  }
0xb2: {  	[dreg:$0x6] =	wrdreg $0x9  }
0xb3: {  	_ =	task.clear_ibuf [dreg:s7], $0x7FFFF;
	_ =	strace $0x90000046  }
0xb4: {  	s29 =	simm.s32 $0x9;
	_ =	strace $0x80000048  }
0xb5: {  	_ =	swait.ge [sflag:s29], $0x1  }
0xb6: {  	[sflag:s29] =	ssyncadd.s32 $0xFFFFFFFF  }
0xb7: {  	_ =	strace $0x90000048  }
0xb8: {  	_ =	sfence  }
0xb9: {  	s30 =	sld [smem:$0x0];
	_ =	sdelay $0x2  }
0xba: {  	s31 =	sshll.u32 s1, $0xD;
	s1 =	sshrl.u32 s1, $0x2  }
0xbb: {  	s3 =	sand.u32 $0x4000, s31;
	s1 =	sadd.s32 s1, s30  }
0xbc: {  	s0 =	sor.u32 s3, s0;
	s1 =	sshll.u32 s1, $0x11  }
0xbd: {  	s0 =	sor.u32 s1, s0  }
0xbe: {  	s0 =	sadd.s32 $0x8F2B, s0  }
0xbf: {  	[sflag:s0] =	ssyncadd.remote.s32 $0x1  }
0xc0: {  	_ =	sfence.sel $0xFFFF  }
0xc1: {  	[dreg:$0x0] =	wrdreg $0xFFFFFFFF;
	(pc) =	sbr.abs _section_cstart, $3  }
0xc2: {  	[dreg:$0x1] =	wrdreg $0xFFFFFFFF  }
0xc3: {  	_ =	task.clear_ibuf [dreg:s7], $0x2FFFF;
	_ =	strace $0x9FFFFFFF  }
0xc4: {  	(tm) =	ssettm $0x7FFFFFFF  }
0xc5: {  	_ =	shalt  }
tec
execute0_lowered:
.L_overlay_start_1:
0x0: {  	(tag) =	ssettag $0x1  }
0x1: {  	s6 =	rddreg [dreg:$0x0]  }
0x2: {  	s7 =	rddreg [dreg:$0x1]  }
0x3: {  	s0 =	srdreg.scid;
	s2 =	rddreg [dreg:$0x2]  }
0x4: {  	s3 =	rddreg [dreg:$0x3];
	s4 =	simm.s32 $0x0;
	s17 =	simm.s32 $0x2800  }
0x5: {  	s18 =	simm.s32 $0x1;
	s19 =	simm.s32 $0x10;
	s5 =	sand.u32 $0x1, s0  }
0x6: {  	s20 =	simm.s32 $0x9;
	s0 =	stileid.u32;
	s9 =	smul.u32 $0x13C000, s5  }
0x7: {  	s21 =	simm.s32 $0x0;
	[smem:$0x7FF] =	sst s4;
	s10 =	smul.u32 $0x13C00, s0  }
0x8: {  	s1 =	sshll.u32 s5, $0x4;
	s11 =	smul.u32 $0xB1C0, s0;
	s5 =	ssub.s32 $0x2, s5  }
0x9: {  	s31 =	sshll.u32 s0, $0x6;
	s1 =	sor.u32 s0, s1;
	s30 =	sshrl.u32 s5, $0x1  }
0xa: {  	s8 =	smul.u32 $0x280, s1;
	s1 =	rddreg [dreg:$0x4];
	_ =	strace $0x80000047  }
0xb: {  	s26 =	sadd.s32 s10, s9;
	s28 =	sshrl.u32 s11, $0x3;
	s14 =	ssub.s32 s5, s30  }
0xc: {  	s15 =	sadd.s32 s11, s2;
	s16 =	sadd.s32 s11, s3;
	s29 =	sadd.s32 s28, s6  }
0xd: {  	s7 =	sadd.s32 s7, s28;
	s11 =	smax.u32 s14, $0x1;
	s14 =	sshrl.u32 s16, $0x3  }
0xe: {  	s16 =	simm.s32 $0x140;
	s12 =	sadd.s32 s8, s6;
	s8 =	sshrl.u32 s26, $0x3  }
0xf: {  	s5 =	sadd.s32 $0xB800, s29;
	s13 =	sadd.s32 s8, s6;
	s6 =	sor.u32 $0x1C02, s31  }
0x10: {  	s8 =	sadd.s32 $0x6800, s12;
	s9 =	sadd.s32 $0x1800, s12;
	s12 =	sshrl.u32 s15, $0x3  }
0x11: {  	s15 =	simm.s32 $0x1400;
	s10 =	sadd.s32 $0x21C00, s13;
	s13 =	simm.s32 $0x2  }
.LBB2_1:
0x12: {  	[spmem:s12], [sflag:s6] =	dma.local [hbm:s5], $0x1638  }
0x13: {  	_ =	swait.ge [sflag:s13], $0x1638  }
0x14: {  	[sflag:s13] =	ssyncset.done $0x0  }
0x15: {  	[sflag:s13] =	ssyncadd.s32 $0xFFFFE9C8  }
0x16: {  	[spmem:s14], [sflag:s6] =	dma.local [hbm:s7], $0x1638  }
0x17: {  	_ =	swait.ge [sflag:s13], $0x1638  }
0x18: {  	[sflag:s13] =	ssyncset.done $0x0  }
0x19: {  	[sflag:s13] =	ssyncadd.s32 $0xFFFFE9C8  }
0x1a: {  	[tilespmem:s4], [sflag:$0x2] =	stream.linear.gather [hbm4b:s8+s4], $0x1400, $0x38;
	[tilespmem:$0x1E580] =	vst v63  }
0x1b: {  	_ =	swait.ge [sflag:s13], $0x1400  }
0x1c: {  	[sflag:s13] =	ssyncset.done $0x0  }
0x1d: {  	[sflag:s13] =	ssyncadd.s32 $0xFFFFEC00  }
0x1e: {  	[tilespmem:s15], [sflag:$0x2] =	stream.linear.gather [hbm4b:s9+s4], $0x1400, $0x38;
	[tilespmem:$0x1E580] =	vst v63  }
0x1f: {  	_ =	swait.ge [sflag:s13], $0x1400  }
0x20: {  	[sflag:s13] =	ssyncset.done $0x0  }
0x21: {  	[sflag:s13] =	ssyncadd.s32 $0xFFFFEC00  }
0x22: {  	s22 =	simm.s32 $0x0;
	[bflag:$0x0] =	sbarrier.arrive $0xFFFF  }
0x23: {  	[tilespmem:s17], [sflag:$0x1] =	stream.indirect.gather [spmem:s3], $0x48, s22, s16, $0xb8;
	[tilespmem:$0x1E580] =	vst v63  }
0x24: {  	_ =	swait.ge [sflag:s18], $0x5A00  }
0x25: {  	[sflag:s18] =	ssyncset.done $0x0  }
0x26: {  	s31 =	simm.s32 $0x1400;
	[sflag:s18] =	ssyncadd.s32 $0xFFFFA600  }
0x27: {  	[spmem:s2] =	stream.indirect.scatter.add.f32 [tilespmem:s17], [sflag:$0x2], $0x48, s31, s16, $0xb8;
	[tilespmem:$0x1E580] =	vst v63  }
0x28: {  	_ =	swait.ge [sflag:s13], $0x5A00  }
0x29: {  	s23 =	simm.s32 $0xA00;
	s22 =	simm.s32 $0x500;
	[sflag:s13] =	ssyncset.done $0x0  }
.LBB2_2:
0x2a: {  	s24 =	sshra.s32 s22, $0x2  }
0x2b: {  	[sflag:s13] =	ssyncadd.s32 $0xFFFFA600;
	s22 =	smov.u32 s23;
	s25 =	sadd.s32 $0x500, s23  }
0x2c: {  	[tilespmem:s17], [sflag:$0x1] =	stream.indirect.gather [spmem:s3], $0x48, s24, s16, $0xb8;
	[tilespmem:$0x1E580] =	vst v63  }
0x2d: {  	p0 =	sne.s32 s23, $0x4B00;
	_ =	swait.ge [sflag:s18], $0x5A00  }
.Ltmp0:
0x2e: {  	[sflag:s18] =	ssyncset.done $0x0;
	(pc) =	sbr.rel @p0 .LBB2_2-.Ltmp0, $4  }
0x2f: {  	s23 =	sadd.s32 $0x1400, s24;
	[sflag:s18] =	ssyncadd.s32 $0xFFFFA600  }
0x30: {  	[spmem:s2] =	stream.indirect.scatter.add.f32 [tilespmem:s17], [sflag:$0x2], $0x48, s23, s16, $0xb8;
	[tilespmem:$0x1E580] =	vst v63  }
0x31: {  	_ =	swait.ge [sflag:s13], $0x5A00  }
0x32: {  	s23 =	smov.u32 s25;
	[sflag:s13] =	ssyncset.done $0x0  }
0x33: {  	s22 =	sshra.s32 s22, $0x2;
	[sflag:s13] =	ssyncadd.s32 $0xFFFFA600  }
0x34: {  	[tilespmem:s17], [sflag:$0x1] =	stream.indirect.gather [spmem:s3], $0x48, s22, s16, $0xb8;
	[tilespmem:$0x1E580] =	vst v63  }
0x35: {  	_ =	swait.ge [sflag:s18], $0x5A00  }
0x36: {  	[sflag:s18] =	ssyncset.done $0x0  }
0x37: {  	s22 =	sadd.s32 $0x1400, s22;
	[sflag:s18] =	ssyncadd.s32 $0xFFFFA600  }
0x38: {  	[spmem:s2] =	stream.indirect.scatter.add.f32 [tilespmem:s17], [sflag:$0x2], $0x48, s22, s16, $0xb8;
	[tilespmem:$0x1E580] =	vst v63  }
0x39: {  	_ =	swait.ge [sflag:s13], $0x5A00  }
0x3a: {  	s21 =	sadd.s32 $0x1, s21;
	[sflag:s13] =	ssyncset.done $0x0  }
0x3b: {  	p0 =	sne.s32 s21, s11;
	[sflag:s13] =	ssyncadd.s32 $0xFFFFA600  }
.Ltmp1:
0x3c: {  	[bflag:$0x0] =	sbarrier.arrive $0xFFFF;
	(pc) =	sbr.rel @p0 .LBB2_1-.Ltmp1, $4  }
0x3d: {  	[hbm:s10@s19], [sflag:s6] =	dma.strided [spmem:s12@s20], $0x1638, s18, $0x9   }
0x3e: {  	_ =	swait.ge [sflag:s13], $0x1638  }
0x3f: {  	[sflag:s13] =	ssyncset.done $0x0  }
0x40: {  	[sflag:s13] =	ssyncadd.s32 $0xFFFFE9C8  }
0x41: {  	_ =	sfence.sel $0x180000  }
0x42: {  	[bflag:$0x0] =	sbarrier.arrive $0xFFFF  }
0x43: {  	p0 =	sne.s32 s0, $0x0;
	_ =	strace $0x90000047  }
0x44: {  	s0 =	sadd.s32 @!p0 $0x100000, s1;
	[bflag:$0x2] =	sbarrier.arrive $0xFFFF  }
0x45: {  	[sflag:s0] =	ssyncadd.tile.s32 @!p0 $0x1;
	_ =	shalt  }
.Lfunc_end2:
_tile_overlayer_lowered:
.L_overlay_start_2:
0x46: {  	(tag) =	ssettag $0x2  }
0x47: {  	s0 =	rddreg [dreg:$0x0];
	s2 =	stileid.u32  }
0x48: {  	s1 =	rddreg [dreg:$0x1];
	p0 =	sne.s32 s2, $0x0  }
0x49: {  	s3 =	rddreg [dreg:$0x2];
	[bflag:$0x3] =	sbarrier.arrive $0xFFFF;
	s2 =	simm.s32 @!p0 $0x1C02  }
0x4a: {  	[timem:s3], [sflag:s2] =	dma.local @!p0 [hbm:s0], s1  }
0x4b: {  	s0 =	simm.s32 @!p0 $0x2  }
0x4c: {  	_ =	swait.ge @!p0 [sflag:s0], s1  }
0x4d: {  	s1 =	ssub.s32 @!p0 $0x0, s1;
	[sflag:s0] =	ssyncset.done @!p0 $0x0  }
0x4e: {  	[sflag:s0] =	ssyncadd.s32 @!p0 s1  }
0x4f: {  	[bflag:$0x3] =	sbarrier.arrive $0xFFFF  }
0x50: {  	_ =	shalt  }

</sc_bundles>
